<compile_context>
chip_gen: v7x
topology: tpu7x:2x2x1
jax: 0.10.2.dev20260603
libtpu: 0.0.44.dev20260713+nightly
codegen_flags: <defaults>
</compile_context>

<pallas_src>
import functools

import jax
import jax.numpy as jnp
from jax import lax
from jax.experimental import pallas as pl
from jax.experimental.pallas import tpu as pltpu
from jax.experimental.pallas import tpu_sc as plsc

B = 16384
V = 17
D = 10
LANES = 16


def kernel(indices, table):
    info = plsc.get_sparse_core_info()
    num_workers = info.num_cores * info.num_subcores
    b_per_w = B // num_workers
    groups = b_per_w // LANES

    mesh = plsc.VectorSubcoreMesh(core_axis_name="c", subcore_axis_name="s")

    @functools.partial(
        pl.kernel,
        mesh=mesh,
        out_type=jax.ShapeDtypeStruct((D, B), jnp.float32),
        scratch_types=[
            pltpu.VMEM((b_per_w,), jnp.int32),
            pltpu.VMEM((D, V), jnp.float32),
            pltpu.VMEM((D, b_per_w), jnp.float32),
            pltpu.SemaphoreType.DMA,
        ],
        compiler_params=pltpu.CompilerParams(needs_layout_passes=False),
    )
    def emb(idx_hbm, table_hbm, out_hbm, idx_v, table_v, rows_v, sem):
        wid = lax.axis_index("s") * info.num_cores + lax.axis_index("c")
        base = wid * b_per_w
        tbl_cp = pltpu.async_copy(table_hbm, table_v, sem)
        pltpu.sync_copy(idx_hbm.at[pl.ds(base, b_per_w)], idx_v)
        tbl_cp.wait()

        @plsc.parallel_loop(0, groups, unroll=4)
        def body(g):
            idx16 = idx_v[pl.ds(g * LANES, LANES)]
            for d in range(D):
                dvec = jnp.full((LANES,), d, dtype=jnp.int32)
                val = plsc.load_gather(table_v, [dvec, idx16])
                rows_v[d, pl.ds(g * LANES, LANES)] = val
        pltpu.sync_copy(rows_v, out_hbm.at[:, pl.ds(base, b_per_w)])

    return emb(indices.astype(jnp.int32), table.T).T

# --- scband reference (transcript-rebuilt; emitter-appended) ---
"""Pipeline reference for scband-posembedding-44985487458688 (READ-ONLY COPY).

The authoritative reference and input builder live on the scoring server;
editing this copy changes nothing except your own understanding.
"""

import jax, jax.numpy as jnp
import numpy as np

NUM_TYPE = 17  # universal POS tagset size
EMB_DIM = 10

def setup_inputs(seed: int = 0) -> dict:
    key = jax.random.key(seed)
    k1, k2 = jax.random.split(key)
    indices = jax.random.randint(k1, (16384,), 0, NUM_TYPE, dtype=jnp.int64 if jax.config.jax_enable_x64 else jnp.int32)
    # Keras Embedding default initializer: uniform(-0.05, 0.05)
    table = jax.random.uniform(k2, (NUM_TYPE, EMB_DIM), dtype=jnp.float32, minval=-0.05, maxval=0.05)
    return {"indices": indices, "table": table}

def reference(indices, table):
    # POSEmbedding.call: map POS strings to ids (here already ids), then Embedding lookup
    return jnp.take(table, indices, axis=0)

if __name__ == "__main__":
    import jax
    _d = setup_inputs()
    print(jax.jit(kernel)(*tuple(_d.values())))

</pallas_src>

<mosaic_0001>
#map = affine_map<(d0, d1) -> (0)>
#map1 = affine_map<(d0, d1) -> (0, 0)>
module attributes {stable_mosaic.version = 14 : i64} {
  func.func @emb(%arg0: i32, %arg1: i32, %arg2: memref<16384xi32, #tpu.memory_space<hbm>>, %arg3: memref<10x17xf32, #tpu.memory_space<hbm>>, %arg4: memref<10x16384xf32, #tpu.memory_space<hbm>>, %arg5: memref<512xi32, #tpu.memory_space<vmem>>, %arg6: memref<10x17xf32, #tpu.memory_space<vmem>>, %arg7: memref<10x512xf32, #tpu.memory_space<vmem>>, %arg8: memref<!tpu.dma_semaphore, #tpu.memory_space<semaphore_mem>>) attributes {dimension_semantics = [#tpu.dimension_semantics<core_parallel>, #tpu.dimension_semantics<subcore_parallel>], iteration_bounds = array<i64: 2, 16>, scalar_prefetch = 0 : i64, scratch_operands = 4 : i64, tpu.core_type = #tpu.core_type<sc_vector_subcore>, window_params = [{transform_indices = #map}, {transform_indices = #map1}, {transform_indices = #map1}]} {
    %mul3A = arith.constant 2 : i32
    %mul3A_0 = arith.muli %arg1, %mul3A : i32
    %add3A = arith.addi %mul3A_0, %arg0 : i32
    %mul3A_1 = arith.constant 512 : i32
    %mul3A_2 = arith.muli %add3A, %mul3A_1 : i32
    tpu.enqueue_dma source(%arg3 : memref<10x17xf32, #tpu.memory_space<hbm>>) target(%arg6 : memref<10x17xf32, #tpu.memory_space<vmem>>) target_semaphore(%arg8 : memref<!tpu.dma_semaphore, #tpu.memory_space<semaphore_mem>>)
    "tpu.region"() ({
      %run_scoped3A = tpu.sem_alloc : memref<!tpu.dma_semaphore, #tpu.memory_space<semaphore_mem>>
      %dma_start3A = tpu.memref_slice %arg2[%mul3A_2] : memref<16384xi32, #tpu.memory_space<hbm>> -> memref<512xi32, #tpu.memory_space<hbm>>
      %dma_start3A_5 = tpu.memref_slice %arg2[%mul3A_2] : memref<16384xi32, #tpu.memory_space<hbm>> -> memref<512xi32, #tpu.memory_space<hbm>>
      tpu.enqueue_dma source(%dma_start3A_5 : memref<512xi32, #tpu.memory_space<hbm>>) target(%arg5 : memref<512xi32, #tpu.memory_space<vmem>>) target_semaphore(%run_scoped3A : memref<!tpu.dma_semaphore, #tpu.memory_space<semaphore_mem>>)
      %dma_wait3A = tpu.memref_slice %arg2[%mul3A_2] : memref<16384xi32, #tpu.memory_space<hbm>> -> memref<512xi32, #tpu.memory_space<hbm>>
      %dma_wait3A_6 = tpu.memref_slice %arg2[%mul3A_2] : memref<16384xi32, #tpu.memory_space<hbm>> -> memref<512xi32, #tpu.memory_space<hbm>>
      tpu.wait_dma2 semaphore(%run_scoped3A : memref<!tpu.dma_semaphore, #tpu.memory_space<semaphore_mem>>) src(%dma_wait3A_6 : memref<512xi32, #tpu.memory_space<hbm>>) dst(%arg5 : memref<512xi32, #tpu.memory_space<vmem>>)
      tpu.yield
    }) : () -> ()
    tpu.wait_dma2 semaphore(%arg8 : memref<!tpu.dma_semaphore, #tpu.memory_space<semaphore_mem>>) src(%arg3 : memref<10x17xf32, #tpu.memory_space<hbm>>) dst(%arg6 : memref<10x17xf32, #tpu.memory_space<vmem>>)
    %parallel_loop3A = arith.constant 0 : i32
    %parallel_loop3A_3 = arith.constant 32 : i32
    %parallel_loop3A_4 = arith.constant 1 : i32
    scf.for %parallel_loop3A_5 = %parallel_loop3A to %parallel_loop3A_3 step %parallel_loop3A_4  : i32 {
      %parallel_loop3A_6 = arith.constant 16 : i32
      %parallel_loop3A_7 = arith.muli %parallel_loop3A_5, %parallel_loop3A_6 : i32
      %parallel_loop3A_8 = arith.index_cast %parallel_loop3A_7 : i32 to index
      %parallel_loop3A_9 = tpu.vector_load %arg5[%parallel_loop3A_8] {strides = array<i32>} : memref<512xi32, #tpu.memory_space<vmem>>, vector<16xi32>,
      %parallel_loop3A_10 = arith.constant 0 : i32
      %parallel_loop3A_11 = vector.broadcast %parallel_loop3A_10 : i32 to vector<16xi32>
      %parallel_loop3A_12 = tpu.vector_load_idx %arg6[%parallel_loop3A_11, %parallel_loop3A_9] : memref<10x17xf32, #tpu.memory_space<vmem>>[vector<16xi32>, vector<16xi32>], vector<16xf32>,
      %parallel_loop3A_13 = arith.constant 16 : i32
      %parallel_loop3A_14 = arith.muli %parallel_loop3A_5, %parallel_loop3A_13 : i32
      %parallel_loop3A_15 = arith.constant 0 : i32
      %parallel_loop3A_16 = arith.index_cast %parallel_loop3A_15 : i32 to index
      %parallel_loop3A_17 = arith.index_cast %parallel_loop3A_14 : i32 to index
      %parallel_loop3A_18 = tpu.vector_load %arg7[%parallel_loop3A_16, %parallel_loop3A_17] {strides = array<i32>} : memref<10x512xf32, #tpu.memory_space<vmem>>, vector<16xf32>,
      tpu.vector_store %arg7[%parallel_loop3A_16, %parallel_loop3A_17], %parallel_loop3A_12 {strides = array<i32>} : memref<10x512xf32, #tpu.memory_space<vmem>>, vector<16xf32>,
      %parallel_loop3A_19 = arith.constant 1 : i32
      %parallel_loop3A_20 = vector.broadcast %parallel_loop3A_19 : i32 to vector<16xi32>
      %parallel_loop3A_21 = tpu.vector_load_idx %arg6[%parallel_loop3A_20, %parallel_loop3A_9] : memref<10x17xf32, #tpu.memory_space<vmem>>[vector<16xi32>, vector<16xi32>], vector<16xf32>,
      %parallel_loop3A_22 = arith.constant 16 : i32
      %parallel_loop3A_23 = arith.muli %parallel_loop3A_5, %parallel_loop3A_22 : i32
      %parallel_loop3A_24 = arith.constant 1 : i32
      %parallel_loop3A_25 = arith.index_cast %parallel_loop3A_24 : i32 to index
      %parallel_loop3A_26 = arith.index_cast %parallel_loop3A_23 : i32 to index
      %parallel_loop3A_27 = tpu.vector_load %arg7[%parallel_loop3A_25, %parallel_loop3A_26] {strides = array<i32>} : memref<10x512xf32, #tpu.memory_space<vmem>>, vector<16xf32>,
      tpu.vector_store %arg7[%parallel_loop3A_25, %parallel_loop3A_26], %parallel_loop3A_21 {strides = array<i32>} : memref<10x512xf32, #tpu.memory_space<vmem>>, vector<16xf32>,
      %parallel_loop3A_28 = arith.constant 2 : i32
      %parallel_loop3A_29 = vector.broadcast %parallel_loop3A_28 : i32 to vector<16xi32>
      %parallel_loop3A_30 = tpu.vector_load_idx %arg6[%parallel_loop3A_29, %parallel_loop3A_9] : memref<10x17xf32, #tpu.memory_space<vmem>>[vector<16xi32>, vector<16xi32>], vector<16xf32>,
      %parallel_loop3A_31 = arith.constant 16 : i32
      %parallel_loop3A_32 = arith.muli %parallel_loop3A_5, %parallel_loop3A_31 : i32
      %parallel_loop3A_33 = arith.constant 2 : i32
      %parallel_loop3A_34 = arith.index_cast %parallel_loop3A_33 : i32 to index
      %parallel_loop3A_35 = arith.index_cast %parallel_loop3A_32 : i32 to index
      %parallel_loop3A_36 = tpu.vector_load %arg7[%parallel_loop3A_34, %parallel_loop3A_35] {strides = array<i32>} : memref<10x512xf32, #tpu.memory_space<vmem>>, vector<16xf32>,
      tpu.vector_store %arg7[%parallel_loop3A_34, %parallel_loop3A_35], %parallel_loop3A_30 {strides = array<i32>} : memref<10x512xf32, #tpu.memory_space<vmem>>, vector<16xf32>,
      %parallel_loop3A_37 = arith.constant 3 : i32
      %parallel_loop3A_38 = vector.broadcast %parallel_loop3A_37 : i32 to vector<16xi32>
      %parallel_loop3A_39 = tpu.vector_load_idx %arg6[%parallel_loop3A_38, %parallel_loop3A_9] : memref<10x17xf32, #tpu.memory_space<vmem>>[vector<16xi32>, vector<16xi32>], vector<16xf32>,
      %parallel_loop3A_40 = arith.constant 16 : i32
      %parallel_loop3A_41 = arith.muli %parallel_loop3A_5, %parallel_loop3A_40 : i32
      %parallel_loop3A_42 = arith.constant 3 : i32
      %parallel_loop3A_43 = arith.index_cast %parallel_loop3A_42 : i32 to index
      %parallel_loop3A_44 = arith.index_cast %parallel_loop3A_41 : i32 to index
      %parallel_loop3A_45 = tpu.vector_load %arg7[%parallel_loop3A_43, %parallel_loop3A_44] {strides = array<i32>} : memref<10x512xf32, #tpu.memory_space<vmem>>, vector<16xf32>,
      tpu.vector_store %arg7[%parallel_loop3A_43, %parallel_loop3A_44], %parallel_loop3A_39 {strides = array<i32>} : memref<10x512xf32, #tpu.memory_space<vmem>>, vector<16xf32>,
      %parallel_loop3A_46 = arith.constant 4 : i32
      %parallel_loop3A_47 = vector.broadcast %parallel_loop3A_46 : i32 to vector<16xi32>
      %parallel_loop3A_48 = tpu.vector_load_idx %arg6[%parallel_loop3A_47, %parallel_loop3A_9] : memref<10x17xf32, #tpu.memory_space<vmem>>[vector<16xi32>, vector<16xi32>], vector<16xf32>,
      %parallel_loop3A_49 = arith.constant 16 : i32
      %parallel_loop3A_50 = arith.muli %parallel_loop3A_5, %parallel_loop3A_49 : i32
      %parallel_loop3A_51 = arith.constant 4 : i32
      %parallel_loop3A_52 = arith.index_cast %parallel_loop3A_51 : i32 to index
      %parallel_loop3A_53 = arith.index_cast %parallel_loop3A_50 : i32 to index
      %parallel_loop3A_54 = tpu.vector_load %arg7[%parallel_loop3A_52, %parallel_loop3A_53] {strides = array<i32>} : memref<10x512xf32, #tpu.memory_space<vmem>>, vector<16xf32>,
      tpu.vector_store %arg7[%parallel_loop3A_52, %parallel_loop3A_53], %parallel_loop3A_48 {strides = array<i32>} : memref<10x512xf32, #tpu.memory_space<vmem>>, vector<16xf32>,
      %parallel_loop3A_55 = arith.constant 5 : i32
      %parallel_loop3A_56 = vector.broadcast %parallel_loop3A_55 : i32 to vector<16xi32>
      %parallel_loop3A_57 = tpu.vector_load_idx %arg6[%parallel_loop3A_56, %parallel_loop3A_9] : memref<10x17xf32, #tpu.memory_space<vmem>>[vector<16xi32>, vector<16xi32>], vector<16xf32>,
      %parallel_loop3A_58 = arith.constant 16 : i32
      %parallel_loop3A_59 = arith.muli %parallel_loop3A_5, %parallel_loop3A_58 : i32
      %parallel_loop3A_60 = arith.constant 5 : i32
      %parallel_loop3A_61 = arith.index_cast %parallel_loop3A_60 : i32 to index
      %parallel_loop3A_62 = arith.index_cast %parallel_loop3A_59 : i32 to index
      %parallel_loop3A_63 = tpu.vector_load %arg7[%parallel_loop3A_61, %parallel_loop3A_62] {strides = array<i32>} : memref<10x512xf32, #tpu.memory_space<vmem>>, vector<16xf32>,
      tpu.vector_store %arg7[%parallel_loop3A_61, %parallel_loop3A_62], %parallel_loop3A_57 {strides = array<i32>} : memref<10x512xf32, #tpu.memory_space<vmem>>, vector<16xf32>,
      %parallel_loop3A_64 = arith.constant 6 : i32
      %parallel_loop3A_65 = vector.broadcast %parallel_loop3A_64 : i32 to vector<16xi32>
      %parallel_loop3A_66 = tpu.vector_load_idx %arg6[%parallel_loop3A_65, %parallel_loop3A_9] : memref<10x17xf32, #tpu.memory_space<vmem>>[vector<16xi32>, vector<16xi32>], vector<16xf32>,
      %parallel_loop3A_67 = arith.constant 16 : i32
      %parallel_loop3A_68 = arith.muli %parallel_loop3A_5, %parallel_loop3A_67 : i32
      %parallel_loop3A_69 = arith.constant 6 : i32
      %parallel_loop3A_70 = arith.index_cast %parallel_loop3A_69 : i32 to index
      %parallel_loop3A_71 = arith.index_cast %parallel_loop3A_68 : i32 to index
      %parallel_loop3A_72 = tpu.vector_load %arg7[%parallel_loop3A_70, %parallel_loop3A_71] {strides = array<i32>} : memref<10x512xf32, #tpu.memory_space<vmem>>, vector<16xf32>,
      tpu.vector_store %arg7[%parallel_loop3A_70, %parallel_loop3A_71], %parallel_loop3A_66 {strides = array<i32>} : memref<10x512xf32, #tpu.memory_space<vmem>>, vector<16xf32>,
      %parallel_loop3A_73 = arith.constant 7 : i32
      %parallel_loop3A_74 = vector.broadcast %parallel_loop3A_73 : i32 to vector<16xi32>
      %parallel_loop3A_75 = tpu.vector_load_idx %arg6[%parallel_loop3A_74, %parallel_loop3A_9] : memref<10x17xf32, #tpu.memory_space<vmem>>[vector<16xi32>, vector<16xi32>], vector<16xf32>,
      %parallel_loop3A_76 = arith.constant 16 : i32
      %parallel_loop3A_77 = arith.muli %parallel_loop3A_5, %parallel_loop3A_76 : i32
      %parallel_loop3A_78 = arith.constant 7 : i32
      %parallel_loop3A_79 = arith.index_cast %parallel_loop3A_78 : i32 to index
      %parallel_loop3A_80 = arith.index_cast %parallel_loop3A_77 : i32 to index
      %parallel_loop3A_81 = tpu.vector_load %arg7[%parallel_loop3A_79, %parallel_loop3A_80] {strides = array<i32>} : memref<10x512xf32, #tpu.memory_space<vmem>>, vector<16xf32>,
      tpu.vector_store %arg7[%parallel_loop3A_79, %parallel_loop3A_80], %parallel_loop3A_75 {strides = array<i32>} : memref<10x512xf32, #tpu.memory_space<vmem>>, vector<16xf32>,
      %parallel_loop3A_82 = arith.constant 8 : i32
      %parallel_loop3A_83 = vector.broadcast %parallel_loop3A_82 : i32 to vector<16xi32>
      %parallel_loop3A_84 = tpu.vector_load_idx %arg6[%parallel_loop3A_83, %parallel_loop3A_9] : memref<10x17xf32, #tpu.memory_space<vmem>>[vector<16xi32>, vector<16xi32>], vector<16xf32>,
      %parallel_loop3A_85 = arith.constant 16 : i32
      %parallel_loop3A_86 = arith.muli %parallel_loop3A_5, %parallel_loop3A_85 : i32
      %parallel_loop3A_87 = arith.constant 8 : i32
      %parallel_loop3A_88 = arith.index_cast %parallel_loop3A_87 : i32 to index
      %parallel_loop3A_89 = arith.index_cast %parallel_loop3A_86 : i32 to index
      %parallel_loop3A_90 = tpu.vector_load %arg7[%parallel_loop3A_88, %parallel_loop3A_89] {strides = array<i32>} : memref<10x512xf32, #tpu.memory_space<vmem>>, vector<16xf32>,
      tpu.vector_store %arg7[%parallel_loop3A_88, %parallel_loop3A_89], %parallel_loop3A_84 {strides = array<i32>} : memref<10x512xf32, #tpu.memory_space<vmem>>, vector<16xf32>,
      %parallel_loop3A_91 = arith.constant 9 : i32
      %parallel_loop3A_92 = vector.broadcast %parallel_loop3A_91 : i32 to vector<16xi32>
      %parallel_loop3A_93 = tpu.vector_load_idx %arg6[%parallel_loop3A_92, %parallel_loop3A_9] : memref<10x17xf32, #tpu.memory_space<vmem>>[vector<16xi32>, vector<16xi32>], vector<16xf32>,
      %parallel_loop3A_94 = arith.constant 16 : i32
      %parallel_loop3A_95 = arith.muli %parallel_loop3A_5, %parallel_loop3A_94 : i32
      %parallel_loop3A_96 = arith.constant 9 : i32
      %parallel_loop3A_97 = arith.index_cast %parallel_loop3A_96 : i32 to index
      %parallel_loop3A_98 = arith.index_cast %parallel_loop3A_95 : i32 to index
      %parallel_loop3A_99 = tpu.vector_load %arg7[%parallel_loop3A_97, %parallel_loop3A_98] {strides = array<i32>} : memref<10x512xf32, #tpu.memory_space<vmem>>, vector<16xf32>,
      tpu.vector_store %arg7[%parallel_loop3A_97, %parallel_loop3A_98], %parallel_loop3A_93 {strides = array<i32>} : memref<10x512xf32, #tpu.memory_space<vmem>>, vector<16xf32>,
    } {sc.loop_unroll_factor = 4 : i64, sc.parallel_access}
    "tpu.region"() ({
      %run_scoped3A = tpu.sem_alloc : memref<!tpu.dma_semaphore, #tpu.memory_space<semaphore_mem>>
      %dma_start3A = arith.constant 0 : i32
      %dma_start3A_5 = tpu.memref_slice %arg4[%dma_start3A, %mul3A_2] : memref<10x16384xf32, #tpu.memory_space<hbm>> -> memref<10x512xf32, #tpu.memory_space<hbm>>
      %dma_start3A_6 = arith.constant 0 : i32
      %dma_start3A_7 = tpu.memref_slice %arg4[%dma_start3A_6, %mul3A_2] : memref<10x16384xf32, #tpu.memory_space<hbm>> -> memref<10x512xf32, #tpu.memory_space<hbm>>
      tpu.enqueue_dma source(%arg7 : memref<10x512xf32, #tpu.memory_space<vmem>>) target(%dma_start3A_7 : memref<10x512xf32, #tpu.memory_space<hbm>>) target_semaphore(%run_scoped3A : memref<!tpu.dma_semaphore, #tpu.memory_space<semaphore_mem>>)
      %dma_wait3A = arith.constant 0 : i32
      %dma_wait3A_8 = tpu.memref_slice %arg4[%dma_wait3A, %mul3A_2] : memref<10x16384xf32, #tpu.memory_space<hbm>> -> memref<10x512xf32, #tpu.memory_space<hbm>>
      %dma_wait3A_9 = arith.constant 0 : i32
      %dma_wait3A_10 = tpu.memref_slice %arg4[%dma_wait3A_9, %mul3A_2] : memref<10x16384xf32, #tpu.memory_space<hbm>> -> memref<10x512xf32, #tpu.memory_space<hbm>>
      tpu.wait_dma2 semaphore(%run_scoped3A : memref<!tpu.dma_semaphore, #tpu.memory_space<semaphore_mem>>) src(%arg7 : memref<10x512xf32, #tpu.memory_space<vmem>>) dst(%dma_wait3A_10 : memref<10x512xf32, #tpu.memory_space<hbm>>)
      tpu.yield
    }) : () -> ()
    return
  }
}

</mosaic_0001>

<sc_bundles>
// kernel: kernel.3.cloned.1.call-start
scs
__scs_entry_jumppad:
0x0: {  	(pc) =	sbr.rel $0x88, $3  }
0x1: {  	(tag) =	ssettag $0x0;
	lr =	simm.s32 $0x1  }
0x2: {  	[smem:$0x3F9F] =	sst lr;
	_ =	strace $0xD0000000  }
0x3: {  	_ = 	snop  }
0x4: {  	_ = 	snop  }
0x5: {  	_ = 	snop  }
0x6: {  	_ = 	snop  }
0x7: {  	_ = 	snop  }
__scs_overlays_trampoline_lowered:
0x8: {  	[smem:$0x3FAE] =	sst s0  }
0x9: {  	[smem:$0x3FAF] =	sst s1  }
0xa: {  	[smem:$0x3FB0] =	sst s2  }
0xb: {  	[smem:$0x3FB1] =	sst s3  }
0xc: {  	[smem:$0x3FB2] =	sst s4  }
0xd: {  	[smem:$0x3FB3] =	sst s5  }
0xe: {  	[smem:$0x3FB4] =	sst s6  }
0xf: {  	[smem:$0x3FB5] =	sst s7  }
0x10: {  	[smem:$0x3FB6] =	sst s8  }
0x11: {  	[smem:$0x3FB7] =	sst s9;
	s0 =	simm.s32 @!p0 $0x0  }
0x12: {  	s1 =	sld [smem:$0x3F9D];
	s0 =	simm.s32 @p0 $0x1  }
0x13: {  	[smem:$0x3FB8] =	sst s0;
	s0 =	simm.s32 @!p1 $0x0  }
0x14: {  	s2 =	sld [smem:$0x3F9C];
	s0 =	simm.s32 @p1 $0x1  }
0x15: {  	[smem:$0x3FB9] =	sst s0;
	s0 =	simm.s32 @!p2 $0x0  }
0x16: {  	s3 =	sld [smem:$0x3FDB];
	s0 =	simm.s32 @p2 $0x1  }
0x17: {  	s4 =	simm.s32 $0x1BF5;
	[smem:$0x3FBB] =	sst s0  }
0x18: {  	s0 =	sld [smem:$0x3F9E];
	_ =	swait.ge [sflag:s4], $0x0  }
0x19: {  	s7 =	sld [smem:$0x3F9F]  }
0x1a: {  	s8 =	sadd.s32 $0xFFFFE003, lr  }
0x1b: {  	s9 =	sadd.s32 $0xFFFFFEF7, lr;
	s5 =	simm.s32 $0xFFFFFFFF;
	p2 =	slt.u32 s8, $0xFFFFF086  }
0x1c: {  	p1 =	slt.u32 s9, $0xF7A;
	s5 =	simm.s32 @!p2 $0x0  }
0x1d: {  	s5 =	simm.s32 @p1 $0x1;
	p0 =	seq.s32 s7, s2  }
0x1e: {  	s7 =	smul.u32 @!p0 $0xF7A, s2;
	p2 =	seq.s32 @!p0 s5, $0x0  }
0x1f: {  	s9 =	smul.u32 $0xF7A, s1;
	s8 =	simm.s32 @!p0 $0x1BF5;
	p2 =	por !p2, p0  }
0x20: {  	[sflag:s8] =	ssyncset.s32 @!p0 $0xFFFFF086;
	s6 =	sadd.s32 @!p0 s3, s7;
	s7 =	simm.s32 @!p0 $0x108  }
0x21: {  	s3 =	sadd.s32 s3, s9;
	s6 =	sadd.s32 @!p0 $0x88, s6;
	s7 =	simm.s32 @p2 $0x1082  }
0x22: {  	[simem:s7], [sflag:s8] =	dma.local @!p0 [hbm:s6], $0xF7A  }
0x23: {  	s9 =	sor.u32 $0xD0000000, s2;
	s6 =	simm.s32 $0x108;
	_ =	swait.ge @!p0 [sflag:s8], $0x0  }
0x24: {  	s3 =	sadd.s32 $0x88, s3;
	s6 =	simm.s32 @!p1 $0x1082;
	[sflag:s4] =	ssyncset.s32 $0xFFFFF086  }
0x25: {  	[simem:s6], [sflag:s4] =	dma.local [hbm:s3], $0xF7A  }
0x26: {  	[smem:$0x3F9F] =	sst s1;
	(tag) =	ssettag s2;
	_ =	strace s9  }
0x27: {  	s1 =	sld [smem:$0x3FAF]  }
0x28: {  	s2 =	sld [smem:$0x3FB0]  }
0x29: {  	s4 =	sld [smem:$0x3FB2]  }
0x2a: {  	p0 =	seq.s32 s5, $0x0;
	s5 =	sld [smem:$0x3FB3]  }
0x2b: {  	s6 =	sld [smem:$0x3FB4]  }
0x2c: {  	s7 =	sld [smem:$0x3FB5]  }
0x2d: {  	s3 =	simm.s32 $0x108;
	s8 =	sld [smem:$0x3FB6]  }
0x2e: {  	s3 =	simm.s32 @!p0 $0x1082;
	s9 =	sld [smem:$0x3FB7]  }
0x2f: {  	lr =	sadd.s32 s0, s3;
	s0 =	sld [smem:$0x3FAE]  }
0x30: {  	s3 =	sld [smem:$0x3FB1]  }
0x31: {  	[smem:$0x3FBA] =	sst s10  }
0x32: {  	s10 =	sld [smem:$0x3FB8];
	_ =	sdelay $0x3  }
0x33: {  	p0 =	seq.s32 s10, $0x1;
	s10 =	sld [smem:$0x3FBA];
	_ =	sdelay $0x3  }
0x34: {  	[smem:$0x3FBA] =	sst s10  }
0x35: {  	s10 =	sld [smem:$0x3FB9];
	_ =	sdelay $0x3  }
0x36: {  	p1 =	seq.s32 s10, $0x1;
	s10 =	sld [smem:$0x3FBA];
	_ =	sdelay $0x3  }
0x37: {  	[smem:$0x3FBA] =	sst s10  }
0x38: {  	s10 =	sld [smem:$0x3FBB]  }
0x39: {  	_ = 	snop;
	(pc) =	sbr.ind lr, $3  }
0x3a: {  	_ = 	snop  }
0x3b: {  	_ = 	snop  }
0x3c: {  	p2 =	seq.s32 s10, $0x1;
	s10 =	sld [smem:$0x3FBA]  }
0x3d: {  	_ =	shalt  }
0x3e: {  	_ =	shalt  }
0x3f: {  	_ =	shalt  }
0x40: {  	_ =	shalt  }
0x41: {  	_ =	shalt  }
0x42: {  	_ =	shalt  }
0x43: {  	_ =	shalt  }
0x44: {  	_ =	shalt  }
0x45: {  	_ =	shalt  }
0x46: {  	_ =	shalt  }
0x47: {  	_ =	shalt  }
0x48: {  	_ =	shalt  }
0x49: {  	_ =	shalt  }
0x4a: {  	_ =	shalt  }
0x4b: {  	_ =	shalt  }
0x4c: {  	_ =	shalt  }
0x4d: {  	_ =	shalt  }
0x4e: {  	_ =	shalt  }
0x4f: {  	_ =	shalt  }
0x50: {  	_ =	shalt  }
0x51: {  	_ =	shalt  }
0x52: {  	_ =	shalt  }
0x53: {  	_ =	shalt  }
0x54: {  	_ =	shalt  }
0x55: {  	_ =	shalt  }
0x56: {  	_ =	shalt  }
0x57: {  	_ =	shalt  }
0x58: {  	_ =	shalt  }
0x59: {  	_ =	shalt  }
0x5a: {  	_ =	shalt  }
0x5b: {  	_ =	shalt  }
0x5c: {  	_ =	shalt  }
0x5d: {  	_ =	shalt  }
0x5e: {  	_ =	shalt  }
0x5f: {  	_ =	shalt  }
0x60: {  	_ =	shalt  }
0x61: {  	_ =	shalt  }
0x62: {  	_ =	shalt  }
0x63: {  	_ =	shalt  }
0x64: {  	_ =	shalt  }
0x65: {  	_ =	shalt  }
0x66: {  	_ =	shalt  }
0x67: {  	_ =	shalt  }
0x68: {  	_ =	shalt  }
0x69: {  	_ =	shalt  }
0x6a: {  	_ =	shalt  }
0x6b: {  	_ =	shalt  }
0x6c: {  	_ =	shalt  }
0x6d: {  	_ =	shalt  }
0x6e: {  	_ =	shalt  }
0x6f: {  	_ =	shalt  }
0x70: {  	_ =	shalt  }
0x71: {  	_ =	shalt  }
0x72: {  	_ =	shalt  }
0x73: {  	_ =	shalt  }
0x74: {  	_ =	shalt  }
0x75: {  	_ =	shalt  }
0x76: {  	_ =	shalt  }
0x77: {  	_ =	shalt  }
0x78: {  	_ =	shalt  }
0x79: {  	_ =	shalt  }
0x7a: {  	_ =	shalt  }
0x7b: {  	_ =	shalt  }
0x7c: {  	_ =	shalt  }
0x7d: {  	_ =	shalt  }
0x7e: {  	_ =	shalt  }
0x7f: {  	_ =	shalt  }
0x80: {  	_ =	shalt  }
0x81: {  	_ =	shalt  }
0x82: {  	_ =	shalt  }
0x83: {  	_ =	shalt  }
0x84: {  	_ =	shalt  }
0x85: {  	_ =	shalt  }
0x86: {  	_ =	shalt  }
0x87: {  	_ =	shalt  }
.Lfunc_end0:
.L_simem_size_0:
called_computation_lowered:
.L_overlay_start_0:
0x88: {  	s2 =	sld [smem:$0x3FD9]  }
0x89: {  	s3 =	sld [smem:$0x3FFE];
	_ =	sdelay $0x1  }
0x8a: {  	s1 =	srdreg.scid  }
0x8b: {  	s0 =	sand.u32 $0x1, s1  }
0x8c: {  	s18 =	sshll.u32 s0, $0xA;
	s2 =	sadd.s32 s3, s2  }
0x8d: {  	s2 =	sadd.s32 s2, s18  }
0x8e: {  	[smem:$0x3FC6] =	sst s2  }
0x8f: {  	_ = 	snop  }
0x90: {  	s2 =	sld [smem:$0x3FC9]  }
0x91: {  	s19 =	sld [smem:$0x3FC8]  }
0x92: {  	s4 =	sld [smem:$0x3FD0];
	(tm) =	ssettm $0x1  }
0x93: {  	s5 =	sld [smem:$0x3FFB];
	_ =	sdelay $0x3  }
0x94: {  	_ =	strace s5  }
0x95: {  	s5 =	sld [smem:$0x3FFC];
	_ =	sdelay $0x3  }
0x96: {  	_ =	strace s5  }
0x97: {  	s5 =	sld [smem:$0x3FFD];
	_ =	sdelay $0x3  }
0x98: {  	_ =	strace s5  }
0x99: {  	_ =	strace $0x8FFFFFFF  }
0x9a: {  	s20 =	sld [smem:$0x3FDB];
	_ =	sdelay $0x1  }
0x9b: {  	s6 =	simm.s32 $_scs_section_size  }
0x9c: {  	s7 =	simm.s32 $_size__tile_overlayer_lowered;
	s8 =	simm.s32 $_tile_overlayer_lowered  }
0x9d: {  	s23 =	simm.s32 $0x1BFF;
	s22 =	sshll.u32 s8, $0x1;
	s5 =	sadd.s32 s6, s20  }
0x9e: {  	s9 =	simm.s32 $0x0;
	s21 =	sshll.u32 s7, $0x1;
	s7 =	sadd.s32 s22, s5  }
0x9f: {  	[timem:s9], [sflag:s23] =	dma.local [hbm:s7], s21  }
0xa0: {  	_ =	swait.ge [sflag:s23], s21  }
0xa1: {  	s6 =	ssub.s32 $0x0, s21;
	[sflag:s23] =	ssyncset.done $0x0  }
0xa2: {  	[sflag:s23] =	ssyncadd.s32 s6;
	_ =	sdelay $0x1  }
0xa3: {  	s24 =	simm.s32 $0x1B8B  }
0xa4: {  	_ =	swait.ge [sflag:s24], $0x1  }
0xa5: {  	[sflag:s24] =	ssyncset.done $0x0  }
0xa6: {  	s25 =	simm.s32 $0x1B8E;
	[sflag:s24] =	ssyncadd.s32 $0xFFFFFFFF  }
0xa7: {  	s26 =	simm.s32 $execute0_lowered;
	[smem:$0x3FD2] =	sst s25  }
0xa8: {  	s6 =	sshll.u32 s26, $0x1;
	_ =	strace $0x80000046;
	[dreg:$0x1] =	wrdreg $0xFFFFFFFF  }
0xa9: {  	s28 =	simm.s32 $_size_execute0_lowered;
	s5 =	sadd.s32 s5, s6;
	[dreg:$0x0] =	wrdreg $0x0  }
0xaa: {  	s6 =	sshll.u32 s28, $0x1;
	[dreg:$0x2] =	wrdreg s5  }
0xab: {  	[dreg:$0x3] =	wrdreg s6  }
0xac: {  	[dreg:$0x4] =	wrdreg $0xC0  }
0xad: {  	_ =	task [dreg:s9], $0x5FFFF  }
0xae: {  	[dreg:$0x1] =	wrdreg $0xFFFFFFFF  }
0xaf: {  	[dreg:$0x0] =	wrdreg $0x60  }
0xb0: {  	[dreg:$0x2] =	wrdreg s2  }
0xb1: {  	[dreg:$0x3] =	wrdreg s19  }
0xb2: {  	[dreg:$0x4] =	wrdreg s4  }
0xb3: {  	[dreg:$0x5] =	wrdreg $0x9  }
0xb4: {  	_ =	task.clear_ibuf [dreg:s9], $0x6FFFF;
	_ =	strace $0x90000046  }
0xb5: {  	s29 =	simm.s32 $0x9;
	_ =	strace $0x80000048  }
0xb6: {  	_ =	swait.ge [sflag:s29], $0x1  }
0xb7: {  	[sflag:s29] =	ssyncadd.s32 $0xFFFFFFFF  }
0xb8: {  	_ =	strace $0x90000048  }
0xb9: {  	_ =	sfence  }
0xba: {  	s30 =	sld [smem:$0x0];
	_ =	sdelay $0x2  }
0xbb: {  	s31 =	sshll.u32 s1, $0xD;
	s1 =	sshrl.u32 s1, $0x2  }
0xbc: {  	s3 =	sand.u32 $0x4000, s31;
	s1 =	sadd.s32 s1, s30  }
0xbd: {  	s0 =	sor.u32 s3, s0;
	s1 =	sshll.u32 s1, $0x11  }
0xbe: {  	s0 =	sor.u32 s1, s0  }
0xbf: {  	s0 =	sadd.s32 $0x8F2B, s0  }
0xc0: {  	[sflag:s0] =	ssyncadd.remote.s32 $0x1  }
0xc1: {  	_ =	sfence.sel $0xFFFF  }
0xc2: {  	[dreg:$0x0] =	wrdreg $0xFFFFFFFF;
	(pc) =	sbr.abs _section_cstart, $3  }
0xc3: {  	[dreg:$0x1] =	wrdreg $0xFFFFFFFF  }
0xc4: {  	_ =	task.clear_ibuf [dreg:s9], $0x2FFFF;
	_ =	strace $0x9FFFFFFF  }
0xc5: {  	(tm) =	ssettm $0x7FFFFFFF  }
tec
execute0_lowered:
.L_overlay_start_1:
0x0: {  	(tag) =	ssettag $0x1  }
0x1: {  	s0 =	rddreg [dreg:$0x0]  }
0x2: {  	s1 =	srdreg.scid;
	s2 =	rddreg [dreg:$0x2]  }
0x3: {  	s3 =	stileid.u32;
	s28 =	simm.s32 $0x0;
	s1 =	sand.u32 $0x1, s1  }
0x4: {  	s4 =	sshll.u32 s3, $0xA;
	[smem:$0x7FF] =	sst s28;
	s5 =	sshll.u32 s1, $0x9  }
0x5: {  	s1 =	ssub.s32 $0x2, s1;
	_ =	strace $0x80000047;
	s4 =	sor.u32 s5, s4  }
0x6: {  	s29 =	sshrl.u32 s1, $0x1;
	s6 =	sshrl.u32 s4, $0x3;
	s30 =	sadd.s32 s2, s4  }
0x7: {  	s1 =	ssub.s32 s1, s29;
	s0 =	sadd.s32 s0, s6;
	[dreg:$0x5] =	wrdreg s30  }
0x8: {  	s7 =	simm.s32 $0x200;
	s31 =	smax.u32 s1, $0x1;
	[dreg:$0x4] =	wrdreg s0  }
0x9: {  	s13 =	simm.s32 $0x0;
	s1 =	simm.s32 $0x2;
	[dreg:$0x6] =	wrdreg s31  }
.LBB2_1:
0xa: {  	s0 =	rddreg [dreg:$0x1];
	s3 =	simm.s32 $0x0  }
0xb: {  	[tilespmem:s7], [sflag:$0x1] =	stream.linear.gather [hbm4b:s0+s3], $0x500, $0x38;
	[tilespmem:$0x2A00] =	vst v63  }
0xc: {  	s18 =	rddreg [dreg:$0x4]  }
0xd: {  	[tilespmem:s3], [sflag:$0x2] =	stream.linear.gather [hbm4b:s18+s3], $0x200, $0x38;
	[tilespmem:$0x2A00] =	vst v63  }
0xe: {  	_ =	swait.ge [sflag:s1], $0x200  }
0xf: {  	[sflag:s1] =	ssyncset.done $0x0  }
0x10: {  	s19 =	simm.s32 $0x1;
	[sflag:s1] =	ssyncadd.s32 $0xFFFFFE00  }
0x11: {  	s23 =	sand.u32 $0x40, s3;
	_ =	swait.ge [sflag:s19], $0x500  }
0x12: {  	s20 =	sand.u32 $0x180, s3;
	s22 =	sor.u32 $0x30, s23;
	[sflag:s19] =	ssyncset.done $0x0  }
0x13: {  	s21 =	sor.u32 s22, s20;
	[sflag:s19] =	ssyncadd.s32 $0xFFFFFB00  }
0x14: {  	s26 =	sor.u32 $0x10, s23;
	v5 =	vld [tilespmem:s21+$0x0]  }
0x15: {  	s25 =	sor.u32 $0x20, s23;
	s24 =	sor.u32 s26, s20  }
0x16: {  	s0 =	sor.u32 s25, s20;
	v4 =	vld [tilespmem:s24+$0x0]  }
0x17: {  	v3 =	vld [tilespmem:s0+$0x0]  }
0x18: {  	v0 =	vld [tilespmem:s3+$0x0];
	_ =	sdelay $0x3  }
0x19: {  	v1 =	vld.idx.msk [tilespmem:v5+s7+$0x0], $0xffff  }
0x1a: {  	v2 =	vadd.s32 $0x80, v5  }
0x1b: {  	s1 =	sand.u32 $0xC00, s3;
	v6 =	vld.idx.msk [tilespmem:v4+s7+$0x0], $0xffff  }
0x1c: {  	s28 =	sadd.s32 $0xA00, s1;
	v7 =	vadd.s32 $0x80, v4;
	v8 =	vld.idx.msk [tilespmem:v3+s7+$0x0], $0xffff  }
0x1d: {  	s2 =	sor.u32 s22, s28;
	v10 =	vadd.s32 $0x80, v3;
	v9 =	vld.idx.msk [tilespmem:v0+s7+$0x0], $0xffff  }
0x1e: {  	[tilespmem:s2+$0x0] =	vst v1;
	v1 =	vadd.s32 $0x80, v0  }
0x1f: {  	s4 =	sor.u32 s26, s28;
	v2 =	vld.idx.msk [tilespmem:v2+s7+$0x0], $0xffff  }
0x20: {  	s5 =	sor.u32 s25, s28;
	v11 =	vadd.s32 $0x100, v5;
	[tilespmem:s4+$0x0] =	vst v6  }
0x21: {  	s0 =	sor.u32 s23, s28;
	[tilespmem:s5+$0x0] =	vst v8;
	v6 =	vld.idx.msk [tilespmem:v7+s7+$0x0], $0xffff  }
0x22: {  	[tilespmem:s0+$0x0] =	vst v9;
	v7 =	vadd.s32 $0x100, v4;
	v8 =	vld.idx.msk [tilespmem:v10+s7+$0x0], $0xffff  }
0x23: {  	v9 =	vadd.s32 $0x100, v3;
	v1 =	vld.idx.msk [tilespmem:v1+s7+$0x0], $0xffff  }
0x24: {  	[tilespmem:s2+$0x80] =	vst v2;
	v2 =	vadd.s32 $0x100, v0  }
0x25: {  	v10 =	vld.idx.msk [tilespmem:v11+s7+$0x0], $0xffff  }
0x26: {  	[tilespmem:s4+$0x80] =	vst v6;
	v11 =	vadd.s32 $0x180, v5  }
0x27: {  	[tilespmem:s5+$0x80] =	vst v8;
	v6 =	vld.idx.msk [tilespmem:v7+s7+$0x0], $0xffff  }
0x28: {  	v7 =	vadd.s32 $0x180, v4;
	[tilespmem:s0+$0x80] =	vst v1;
	v1 =	vld.idx.msk [tilespmem:v9+s7+$0x0], $0xffff  }
0x29: {  	v8 =	vadd.s32 $0x180, v3;
	v2 =	vld.idx.msk [tilespmem:v2+s7+$0x0], $0xffff  }
0x2a: {  	v9 =	vadd.s32 $0x180, v0;
	[tilespmem:s2+$0x100] =	vst v10  }
0x2b: {  	v10 =	vld.idx.msk [tilespmem:v11+s7+$0x0], $0xffff  }
0x2c: {  	[tilespmem:s4+$0x100] =	vst v6;
	v11 =	vadd.s32 $0x200, v5  }
0x2d: {  	v6 =	vld.idx.msk [tilespmem:v7+s7+$0x0], $0xffff;
	[tilespmem:s5+$0x100] =	vst v1  }
0x2e: {  	v7 =	vadd.s32 $0x200, v4;
	[tilespmem:s0+$0x100] =	vst v2;
	v2 =	vld.idx.msk [tilespmem:v8+s7+$0x0], $0xffff  }
0x2f: {  	v8 =	vadd.s32 $0x200, v3;
	v9 =	vld.idx.msk [tilespmem:v9+s7+$0x0], $0xffff  }
0x30: {  	p0 =	por $0x0, $0x0;
	[tilespmem:s2+$0x180] =	vst v10;
	s2 =	simm.s32 $0x1;
	v10 =	vadd.s32 $0x200, v0  }
0x31: {  	s19 =	simm.s32 $0x40;
	v11 =	vld.idx.msk [tilespmem:v11+s7+$0x0], $0xffff;
	s2 =	simm.s32 @!p0 $0x0  }
0x32: {  	v12 =	vadd.s32 $0x280, v5;
	v1 =	vld [tilespmem:s19+$0x0];
	[tilespmem:s4+$0x180] =	vst v6;
	s2 =	sshll.u32 s2, $0x6  }
0x33: {  	s14 =	sand.u32 $0x40, s19;
	v6 =	vld.idx.msk [tilespmem:v7+s7+$0x0], $0xffff;
	s4 =	sadd.s32 $0x0, s2;
	[tilespmem:s5+$0x180] =	vst v2  }
0x34: {  	s15 =	sor.u32 $0x30, s14;
	s5 =	sand.u32 $0x180, s19;
	s8 =	sadd.s32 $0x30, s4;
	[tilespmem:s0+$0x180] =	vst v9;
	v7 =	vld.idx.msk [tilespmem:v8+s7+$0x0], $0xffff  }
0x35: {  	v8 =	vadd.s32 $0x280, v4;
	s10 =	sor.u32 s15, s5;
	s2 =	sor.u32 $0x200, s8;
	v9 =	vld.idx.msk [tilespmem:v10+s7+$0x0], $0xffff  }
0x36: {  	s17 =	sor.u32 $0x10, s14;
	v10 =	vadd.s32 $0x280, v3;
	v2 =	vld [tilespmem:s10+$0x0];
	[tilespmem:s2+$0xA00] =	vst v11  }
0x37: {  	s18 =	sor.u32 $0x20, s14;
	s6 =	sadd.s32 $0x10, s4;
	s9 =	sor.u32 s17, s5;
	v11 =	vld.idx.msk [tilespmem:v12+s7+$0x0], $0xffff;
	v12 =	vadd.s32 $0x280, v0  }
0x38: {  	s11 =	sor.u32 s18, s5;
	s5 =	sadd.s32 $0x20, s4;
	v13 =	vld [tilespmem:s9+$0x0];
	s12 =	sor.u32 $0x200, s6  }
0x39: {  	v14 =	vadd.s32 $0x300, v5;
	s16 =	sor.u32 $0x200, s5;
	v19 =	vld [tilespmem:s11+$0x0];
	[tilespmem:s12+$0xA00] =	vst v6  }
0x3a: {  	s20 =	sor.u32 $0x200, s4;
	v6 =	vld.idx.msk [tilespmem:v8+s7+$0x0], $0xffff;
	[tilespmem:s16+$0xA00] =	vst v7  }
0x3b: {  	[tilespmem:s20+$0xA00] =	vst v9;
	v7 =	vld.idx.msk [tilespmem:v10+s7+$0x0], $0xffff  }
0x3c: {  	s21 =	sor.u32 $0x280, s8;
	v8 =	vld.idx.msk [tilespmem:v12+s7+$0x0], $0xffff  }
0x3d: {  	v9 =	vadd.s32 $0x300, v4;
	[tilespmem:s21+$0xA00] =	vst v11;
	v12 =	vld.idx.msk [tilespmem:v1+s7+$0x0], $0xffff  }
0x3e: {  	v11 =	vadd.s32 $0x300, v3;
	v10 =	vld.idx.msk [tilespmem:v14+s7+$0x0], $0xffff  }
0x3f: {  	v16 =	vadd.s32 $0x300, v0;
	s24 =	sor.u32 $0x280, s6;
	v14 =	vld.idx.msk [tilespmem:v2+s7+$0x0], $0xffff  }
0x40: {  	v15 =	vadd.s32 $0x380, v5;
	s28 =	sor.u32 $0x280, s5;
	s20 =	simm.s32 $0x200;
	v17 =	vld.idx.msk [tilespmem:v13+s7+$0x0], $0xffff;
	[tilespmem:s24+$0xA00] =	vst v6  }
0x41: {  	s10 =	sor.u32 $0x280, s4;
	v18 =	vadd.s32 $0x80, v2;
	s16 =	sand.u32 $0xC00, s20;
	v6 =	vld.idx.msk [tilespmem:v19+s7+$0x0], $0xffff;
	[tilespmem:s28+$0xA00] =	vst v7  }
0x42: {  	s9 =	sor.u32 $0x300, s8;
	v20 =	vadd.s32 $0x80, v13;
	s11 =	sadd.s32 $0xA00, s16;
	v7 =	vld.idx.msk [tilespmem:v9+s7+$0x0], $0xffff;
	[tilespmem:s10+$0xA00] =	vst v8  }
0x43: {  	s2 =	sor.u32 s15, s11;
	v9 =	vadd.s32 $0x80, v19;
	v11 =	vld.idx.msk [tilespmem:v11+s7+$0x0], $0xffff;
	[tilespmem:s9+$0xA00] =	vst v10  }
0x44: {  	s29 =	sor.u32 s14, s11;
	v8 =	vadd.s32 $0x80, v1;
	[tilespmem:s2+$0x0] =	vst v14;
	v14 =	vld.idx.msk [tilespmem:v16+s7+$0x0], $0xffff  }
0x45: {  	s0 =	sor.u32 s17, s11;
	[tilespmem:s29+$0x0] =	vst v12;
	v10 =	vld.idx.msk [tilespmem:v15+s7+$0x0], $0xffff;
	v15 =	vadd.s32 $0x380, v4  }
0x46: {  	s31 =	sor.u32 s18, s11;
	[tilespmem:s0+$0x0] =	vst v17;
	v16 =	vld.idx.msk [tilespmem:v18+s7+$0x0], $0xffff;
	v18 =	vadd.s32 $0x380, v3  }
0x47: {  	s12 =	sor.u32 $0x300, s6;
	v17 =	vadd.s32 $0x400, v5;
	v20 =	vld.idx.msk [tilespmem:v20+s7+$0x0], $0xffff;
	[tilespmem:s31+$0x0] =	vst v6  }
0x48: {  	s21 =	sor.u32 $0x300, s5;
	v6 =	vld.idx.msk [tilespmem:v9+s7+$0x0], $0xffff;
	v9 =	vadd.s32 $0x100, v2;
	[tilespmem:s12+$0xA00] =	vst v7  }
0x49: {  	s4 =	sor.u32 $0x300, s4;
	v12 =	vadd.s32 $0x100, v13;
	v8 =	vld.idx.msk [tilespmem:v8+s7+$0x0], $0xffff;
	[tilespmem:s21+$0xA00] =	vst v11  }
0x4a: {  	s8 =	sor.u32 $0x380, s8;
	v7 =	vadd.s32 $0x100, v19;
	[tilespmem:s4+$0xA00] =	vst v14;
	v15 =	vld.idx.msk [tilespmem:v15+s7+$0x0], $0xffff  }
0x4b: {  	[tilespmem:s8+$0xA00] =	vst v10;
	v10 =	vadd.s32 $0x100, v1;
	v24 =	vld.idx.msk [tilespmem:v18+s7+$0x0], $0xffff  }
0x4c: {  	[tilespmem:s2+$0x80] =	vst v16;
	v16 =	vadd.s32 $0x380, v0;
	v11 =	vld.idx.msk [tilespmem:v17+s7+$0x0], $0xffff  }
0x4d: {  	[tilespmem:s0+$0x80] =	vst v20;
	v9 =	vld.idx.msk [tilespmem:v9+s7+$0x0], $0xffff;
	v17 =	vadd.s32 $0x400, v4  }
0x4e: {  	v5 =	vadd.s32 $0x480, v5;
	v12 =	vld.idx.msk [tilespmem:v12+s7+$0x0], $0xffff;
	[tilespmem:s31+$0x80] =	vst v6  }
0x4f: {  	s6 =	sor.u32 $0x380, s6;
	v6 =	vld.idx.msk [tilespmem:v7+s7+$0x0], $0xffff;
	v7 =	vadd.s32 $0x180, v2;
	[tilespmem:s29+$0x80] =	vst v8  }
0x50: {  	s24 =	sadd.s32 $0x1A00, s1;
	s9 =	sor.u32 $0x380, s5;
	v8 =	vadd.s32 $0x180, v13;
	v20 =	vld.idx.msk [tilespmem:v10+s7+$0x0], $0xffff;
	[tilespmem:s6+$0xA00] =	vst v15  }
0x51: {  	v25 =	vadd.s32 $0x180, v1;
	s28 =	sor.u32 s22, s24;
	v18 =	vld.idx.msk [tilespmem:v16+s7+$0x0], $0xffff;
	[tilespmem:s9+$0xA00] =	vst v24  }
0x52: {  	v14 =	vadd.s32 $0x180, v19;
	[tilespmem:s28+$0x0] =	vst v11;
	v17 =	vld.idx.msk [tilespmem:v17+s7+$0x0], $0xffff  }
0x53: {  	v27 =	vadd.s32 $0x400, v3;
	v3 =	vadd.s32 $0x480, v3;
	[tilespmem:s2+$0x100] =	vst v9;
	v26 =	vld.idx.msk [tilespmem:v5+s7+$0x0], $0xffff  }
0x54: {  	s11 =	sor.u32 s20, s19;
	s10 =	sadd.s32 $0x1A80, s1;
	v4 =	vadd.s32 $0x480, v4;
	v16 =	vadd.s32 $0x200, v13;
	v15 =	vadd.s32 $0x200, v19;
	[tilespmem:s0+$0x100] =	vst v12;
	v21 =	vld.idx.msk [tilespmem:v7+s7+$0x0], $0xffff  }
0x55: {  	s5 =	sor.u32 s26, s24;
	s1 =	sor.u32 s26, s10;
	s30 =	sor.u32 s25, s10;
	v10 =	vadd.s32 $0x300, v19;
	v12 =	vadd.s32 $0x280, v13;
	v22 =	vld.idx.msk [tilespmem:v8+s7+$0x0], $0xffff;
	[tilespmem:s29+$0x100] =	vst v20;
	v20 =	vadd.s32 $0x400, v0  }
0x56: {  	s12 =	sor.u32 s23, s24;
	s4 =	sor.u32 s25, s24;
	s24 =	sor.u32 s23, s10;
	v9 =	vadd.s32 $0x300, v13;
	v11 =	vadd.s32 $0x280, v19;
	[tilespmem:s31+$0x100] =	vst v6;
	v24 =	vld.idx.msk [tilespmem:v25+s7+$0x0], $0xffff;
	v25 =	vadd.s32 $0x200, v2  }
0x57: {  	s23 =	simm.s32 $0x80;
	s6 =	sor.u32 s3, s3;
	s28 =	sor.u32 s22, s10;
	v7 =	vadd.s32 $0x380, v13;
	v5 =	vadd.s32 $0x400, v13;
	v6 =	vadd.s32 $0x400, v19;
	v23 =	vld.idx.msk [tilespmem:v14+s7+$0x0], $0xffff  }
0x58: {  	s21 =	sor.u32 $0x380, s6;
	s22 =	simm.s32 $0x4;
	s10 =	sor.u32 $0x380, s11;
	v8 =	vadd.s32 $0x380, v19;
	v14 =	vadd.s32 $0x480, v13;
	v13 =	vadd.s32 $0x480, v19;
	v19 =	vld.idx.msk [tilespmem:v27+s7+$0x0], $0xffff;
	[tilespmem:s28+$0x0] =	vst v26  }
.LBB2_2:
0x59: {  	v26 =	vld [tilespmem:s23+$0x0];
	v27 =	vadd.s32 $0x200, v1;
	[tilespmem:s21+$0xA00] =	vst v18;
	s26 =	smov.u32 s15;
	s28 =	smov.u32 s17;
	s25 =	smov.u32 s18  }
0x5a: {  	s21 =	smov.u32 s10;
	[tilespmem:s2+$0x180] =	vst v21;
	v18 =	vld.idx.msk [tilespmem:v20+s7+$0x0], $0xffff  }
0x5b: {  	p0 =	por !p0, !p0;
	[tilespmem:s0+$0x180] =	vst v22;
	v20 =	vld.idx.msk [tilespmem:v25+s7+$0x0], $0xffff;
	s0 =	simm.s32 $0x1  }
0x5c: {  	v21 =	vadd.s32 $0x480, v0;
	v0 =	vmov v1;
	s0 =	simm.s32 @!p0 $0x0;
	v16 =	vld.idx.msk [tilespmem:v16+s7+$0x0], $0xffff;
	[tilespmem:s31+$0x180] =	vst v23  }
0x5d: {  	v22 =	vadd.s32 $0x280, v2;
	s0 =	sshll.u32 s0, $0x6;
	[tilespmem:s29+$0x180] =	vst v24;
	v15 =	vld.idx.msk [tilespmem:v15+s7+$0x0], $0xffff  }
0x5e: {  	v23 =	vld.idx.msk [tilespmem:v27+s7+$0x0], $0xffff;
	s0 =	sadd.s32 s0, s20;
	[tilespmem:s5+$0x0] =	vst v17;
	v1 =	vmov v26  }
0x5f: {  	s19 =	sadd.s32 $0x40, s19;
	s2 =	sadd.s32 $0x10, s0;
	s5 =	sadd.s32 $0x30, s0;
	v17 =	vld.idx.msk [tilespmem:v4+s7+$0x0], $0xffff;
	[tilespmem:s4+$0x0] =	vst v19;
	v4 =	vmov v14  }
0x60: {  	s22 =	sadd.s32 $0x4, s22;
	s11 =	sand.u32 $0x40, s19;
	s4 =	sor.u32 $0x200, s5;
	[tilespmem:s12+$0x0] =	vst v18;
	v14 =	vld.idx.msk [tilespmem:v3+s7+$0x0], $0xffff;
	v3 =	vmov v13  }
0x61: {  	s6 =	sand.u32 $0x180, s19;
	p1 =	slt.u32 s22, $0x1C;
	s15 =	sor.u32 $0x30, s11;
	[tilespmem:s4+$0xA00] =	vst v20;
	v13 =	vld.idx.msk [tilespmem:v21+s7+$0x0], $0xffff  }
0x62: {  	s17 =	sor.u32 $0x10, s11;
	s18 =	sor.u32 $0x20, s11;
	s4 =	sor.u32 s15, s6;
	v18 =	vld.idx.msk [tilespmem:v22+s7+$0x0], $0xffff  }
0x63: {  	s8 =	sor.u32 s17, s6;
	s10 =	sadd.s32 $0x20, s0;
	s6 =	sor.u32 s18, s6;
	v20 =	vadd.s32 $0x280, v0;
	v19 =	vld [tilespmem:s4+$0x0]  }
0x64: {  	s9 =	sor.u32 $0x200, s0;
	s12 =	sor.u32 $0x200, s10;
	v22 =	vadd.s32 $0x300, v2;
	s4 =	sor.u32 $0x200, s2;
	v21 =	vld [tilespmem:s8+$0x0]  }
0x65: {  	s29 =	sor.u32 $0x280, s0;
	s31 =	sor.u32 $0x280, s2;
	s3 =	sor.u32 $0x280, s10;
	v24 =	vld [tilespmem:s6+$0x0];
	[tilespmem:s4+$0xA00] =	vst v16  }
0x66: {  	s8 =	sor.u32 $0x300, s2;
	s4 =	sor.u32 $0x300, s0;
	v25 =	vld.idx.msk [tilespmem:v12+s7+$0x0], $0xffff;
	[tilespmem:s12+$0xA00] =	vst v15;
	s12 =	sor.u32 $0x300, s10  }
0x67: {  	s6 =	sor.u32 $0x380, s10;
	s0 =	sor.u32 $0x280, s5;
	[tilespmem:s9+$0xA00] =	vst v23;
	s9 =	sor.u32 $0x380, s2;
	v23 =	vld.idx.msk [tilespmem:v11+s7+$0x0], $0xffff  }
0x68: {  	v26 =	vadd.s32 $0x300, v0;
	v20 =	vld.idx.msk [tilespmem:v20+s7+$0x0], $0xffff;
	[tilespmem:s0+$0xA00] =	vst v18  }
0x69: {  	v18 =	vadd.s32 $0x80, v21;
	v27 =	vadd.s32 $0x100, v21;
	v28 =	vadd.s32 $0x180, v21;
	v22 =	vld.idx.msk [tilespmem:v22+s7+$0x0], $0xffff;
	[tilespmem:s1+$0x0] =	vst v17  }
0x6a: {  	v17 =	vld.idx.msk [tilespmem:v1+s7+$0x0], $0xffff;
	v29 =	vadd.s32 $0x80, v24;
	v30 =	vadd.s32 $0x100, v24;
	v31 =	vadd.s32 $0x180, v24;
	[tilespmem:s30+$0x0] =	vst v14  }
0x6b: {  	v33 =	vadd.s32 $0x380, v2;
	v16 =	vadd.s32 $0x200, v21;
	v15 =	vadd.s32 $0x200, v24;
	v32 =	vld.idx.msk [tilespmem:v19+s7+$0x0], $0xffff;
	[tilespmem:s24+$0x0] =	vst v13  }
0x6c: {  	v12 =	vadd.s32 $0x280, v21;
	v11 =	vadd.s32 $0x280, v24;
	v13 =	vadd.s32 $0x300, v21;
	v34 =	vld.idx.msk [tilespmem:v21+s7+$0x0], $0xffff;
	[tilespmem:s31+$0xA00] =	vst v25  }
0x6d: {  	s20 =	sadd.s32 $0x200, s20;
	v37 =	vadd.s32 $0x80, v19;
	v36 =	vadd.s32 $0x300, v24;
	v25 =	vadd.s32 $0x380, v21;
	v35 =	vld.idx.msk [tilespmem:v24+s7+$0x0], $0xffff;
	[tilespmem:s3+$0xA00] =	vst v23  }
0x6e: {  	s2 =	sor.u32 $0x300, s5;
	s0 =	sor.u32 s20, s19;
	s1 =	sand.u32 $0xC00, s20;
	v38 =	vadd.s32 $0x380, v24;
	v39 =	vadd.s32 $0x400, v24;
	v23 =	vadd.s32 $0x400, v21;
	[tilespmem:s29+$0xA00] =	vst v20;
	v20 =	vld.idx.msk [tilespmem:v9+s7+$0x0], $0xffff;
	v9 =	vmovc v13  }
0x6f: {  	s10 =	sor.u32 $0x380, s0;
	v14 =	vadd.s32 $0x480, v21;
	s3 =	sadd.s32 $0xA00, s1;
	v13 =	vadd.s32 $0x480, v24;
	v21 =	vld.idx.msk [tilespmem:v10+s7+$0x0], $0xffff;
	[tilespmem:s2+$0xA00] =	vst v22;
	v10 =	vmov v36  }
0x70: {  	s29 =	sor.u32 s11, s3;
	s0 =	sor.u32 s17, s3;
	v22 =	vadd.s32 $0x80, v1;
	s2 =	sor.u32 s15, s3;
	v24 =	vld.idx.msk [tilespmem:v33+s7+$0x0], $0xffff  }
0x71: {  	s31 =	sor.u32 s18, s3;
	[tilespmem:s2+$0x0] =	vst v32;
	v26 =	vld.idx.msk [tilespmem:v26+s7+$0x0], $0xffff  }
0x72: {  	v33 =	vadd.s32 $0x400, v2;
	[tilespmem:s0+$0x0] =	vst v34;
	v32 =	vld.idx.msk [tilespmem:v37+s7+$0x0], $0xffff  }
0x73: {  	v18 =	vld.idx.msk [tilespmem:v18+s7+$0x0], $0xffff;
	[tilespmem:s31+$0x0] =	vst v35  }
0x74: {  	[tilespmem:s29+$0x0] =	vst v17;
	v17 =	vld.idx.msk [tilespmem:v29+s7+$0x0], $0xffff;
	v29 =	vadd.s32 $0x100, v19  }
0x75: {  	s3 =	sor.u32 $0x380, s5;
	v22 =	vld.idx.msk [tilespmem:v22+s7+$0x0], $0xffff;
	[tilespmem:s8+$0xA00] =	vst v20  }
0x76: {  	v20 =	vld.idx.msk [tilespmem:v7+s7+$0x0], $0xffff;
	[tilespmem:s3+$0xA00] =	vst v24;
	v7 =	vmov v25  }
0x77: {  	v24 =	vadd.s32 $0x100, v1;
	[tilespmem:s12+$0xA00] =	vst v21;
	v21 =	vld.idx.msk [tilespmem:v33+s7+$0x0], $0xffff  }
0x78: {  	v25 =	vadd.s32 $0x380, v0;
	[tilespmem:s2+$0x80] =	vst v32;
	v32 =	vld.idx.msk [tilespmem:v8+s7+$0x0], $0xffff;
	v8 =	vmov v38  }
0x79: {  	v33 =	vadd.s32 $0x480, v2;
	v2 =	vmov v19;
	[tilespmem:s0+$0x80] =	vst v18;
	v29 =	vld.idx.msk [tilespmem:v29+s7+$0x0], $0xffff  }
0x7a: {  	v19 =	vld.idx.msk [tilespmem:v27+s7+$0x0], $0xffff;
	[tilespmem:s31+$0x80] =	vst v17  }
0x7b: {  	s3 =	sadd.s32 $0x1A00, s16;
	[tilespmem:s29+$0x80] =	vst v22;
	v27 =	vld.idx.msk [tilespmem:v30+s7+$0x0], $0xffff;
	v22 =	vadd.s32 $0x180, v2  }
0x7c: {  	s12 =	sor.u32 s14, s3;
	s5 =	sor.u32 s28, s3;
	s8 =	sor.u32 s26, s3;
	v24 =	vld.idx.msk [tilespmem:v24+s7+$0x0], $0xffff;
	[tilespmem:s4+$0xA00] =	vst v26  }
0x7d: {  	s4 =	sor.u32 s25, s3;
	v18 =	vld.idx.msk [tilespmem:v25+s7+$0x0], $0xffff;
	[tilespmem:s8+$0x0] =	vst v21  }
0x7e: {  	v26 =	vadd.s32 $0x180, v1;
	[tilespmem:s9+$0xA00] =	vst v20;
	v30 =	vld.idx.msk [tilespmem:v33+s7+$0x0], $0xffff  }
0x7f: {  	[tilespmem:s2+$0x100] =	vst v29;
	v17 =	vld.idx.msk [tilespmem:v5+s7+$0x0], $0xffff;
	v5 =	vmov v23  }
.Ltmp0:
0x80: {  	[tilespmem:s0+$0x100] =	vst v19;
	v21 =	vld.idx.msk [tilespmem:v22+s7+$0x0], $0xffff;
	(pc) =	sbr.rel @p1 .LBB2_2-.Ltmp0, $4  }
0x81: {  	v20 =	vadd.s32 $0x400, v0;
	v22 =	vld.idx.msk [tilespmem:v28+s7+$0x0], $0xffff;
	[tilespmem:s31+$0x100] =	vst v27  }
0x82: {  	s3 =	sadd.s32 $0x1A80, s16;
	s16 =	smov.u32 s1;
	v25 =	vadd.s32 $0x200, v2;
	[tilespmem:s29+$0x100] =	vst v24;
	v23 =	vld.idx.msk [tilespmem:v31+s7+$0x0], $0xffff  }
0x83: {  	s24 =	sor.u32 s14, s3;
	s1 =	sor.u32 s28, s3;
	v24 =	vld.idx.msk [tilespmem:v26+s7+$0x0], $0xffff;
	[tilespmem:s6+$0xA00] =	vst v32;
	s6 =	sor.u32 s26, s3  }
0x84: {  	s23 =	sadd.s32 $0x40, s23;
	s30 =	sor.u32 s25, s3;
	s14 =	smov.u32 s11;
	v19 =	vld.idx.msk [tilespmem:v6+s7+$0x0], $0xffff;
	[tilespmem:s6+$0x0] =	vst v30;
	v6 =	vmov v39  }
0x85: {  	_ =	sdelay $0x1  }
0x86: {  	v26 =	vadd.s32 $0x200, v1  }
0x87: {  	[tilespmem:s2+$0x180] =	vst v21;
	p0 =	por !p0, !p0;
	s2 =	simm.s32 $0x1  }
0x88: {  	[tilespmem:s0+$0x180] =	vst v22;
	v21 =	vld.idx.msk [tilespmem:v25+s7+$0x0], $0xffff;
	s2 =	simm.s32 @!p0 $0x0  }
0x89: {  	v43 =	vadd.s32 $0x280, v2;
	v16 =	vld.idx.msk [tilespmem:v16+s7+$0x0], $0xffff;
	[tilespmem:s31+$0x180] =	vst v23;
	s8 =	sshll.u32 s2, $0x6  }
0x8a: {  	[tilespmem:s29+$0x180] =	vst v24;
	v15 =	vld.idx.msk [tilespmem:v15+s7+$0x0], $0xffff;
	s0 =	sadd.s32 s8, s20  }
0x8b: {  	s9 =	sadd.s32 $0x30, s0;
	v44 =	vld.idx.msk [tilespmem:v26+s7+$0x0], $0xffff  }
0x8c: {  	v45 =	vadd.s32 $0x280, v1;
	s3 =	sadd.s32 $0x10, s0;
	s6 =	sor.u32 $0x200, s9  }
0x8d: {  	s11 =	sadd.s32 $0x20, s0;
	s8 =	sor.u32 $0x200, s3;
	[tilespmem:s6+$0xA00] =	vst v21  }
0x8e: {  	s19 =	sor.u32 $0x200, s11;
	v21 =	vld.idx.msk [tilespmem:v43+s7+$0x0], $0xffff;
	[tilespmem:s8+$0xA00] =	vst v16  }
0x8f: {  	v46 =	vadd.s32 $0x300, v2;
	s20 =	sor.u32 $0x200, s0;
	[tilespmem:s19+$0xA00] =	vst v15;
	v12 =	vld.idx.msk [tilespmem:v12+s7+$0x0], $0xffff  }
0x90: {  	v11 =	vld.idx.msk [tilespmem:v11+s7+$0x0], $0xffff;
	[tilespmem:s20+$0xA00] =	vst v44  }
0x91: {  	v47 =	vld.idx.msk [tilespmem:v45+s7+$0x0], $0xffff  }
0x92: {  	v48 =	vadd.s32 $0x300, v1;
	s22 =	sor.u32 $0x280, s9  }
0x93: {  	s23 =	sor.u32 $0x280, s3;
	[tilespmem:s22+$0xA00] =	vst v21  }
0x94: {  	s25 =	sor.u32 $0x280, s11;
	[tilespmem:s23+$0xA00] =	vst v12;
	v49 =	vld.idx.msk [tilespmem:v46+s7+$0x0], $0xffff  }
0x95: {  	v50 =	vadd.s32 $0x380, v2;
	s26 =	sor.u32 $0x280, s0;
	[tilespmem:s25+$0xA00] =	vst v11;
	v9 =	vld.idx.msk [tilespmem:v9+s7+$0x0], $0xffff  }
0x96: {  	v10 =	vld.idx.msk [tilespmem:v10+s7+$0x0], $0xffff;
	[tilespmem:s26+$0xA00] =	vst v47  }
0x97: {  	v51 =	vld.idx.msk [tilespmem:v48+s7+$0x0], $0xffff  }
0x98: {  	[tilespmem:s21+$0xA00] =	vst v18;
	v52 =	vadd.s32 $0x380, v1;
	s28 =	sor.u32 $0x300, s9  }
0x99: {  	s29 =	sor.u32 $0x300, s3;
	[tilespmem:s28+$0xA00] =	vst v49  }
0x9a: {  	s31 =	sor.u32 $0x300, s11;
	[tilespmem:s29+$0xA00] =	vst v9;
	v53 =	vld.idx.msk [tilespmem:v50+s7+$0x0], $0xffff  }
0x9b: {  	v54 =	vadd.s32 $0x400, v2;
	s0 =	sor.u32 $0x300, s0;
	[tilespmem:s31+$0xA00] =	vst v10;
	v7 =	vld.idx.msk [tilespmem:v7+s7+$0x0], $0xffff  }
0x9c: {  	v8 =	vld.idx.msk [tilespmem:v8+s7+$0x0], $0xffff;
	[tilespmem:s0+$0xA00] =	vst v51  }
0x9d: {  	[tilespmem:s5+$0x0] =	vst v17;
	v55 =	vld.idx.msk [tilespmem:v52+s7+$0x0], $0xffff  }
0x9e: {  	v57 =	vadd.s32 $0x400, v1;
	v56 =	vld.idx.msk [tilespmem:v20+s7+$0x0], $0xffff;
	[tilespmem:s4+$0x0] =	vst v19;
	s8 =	sor.u32 $0x380, s9  }
0x9f: {  	v4 =	vld.idx.msk [tilespmem:v4+s7+$0x0], $0xffff;
	s9 =	sor.u32 $0x380, s3;
	[tilespmem:s8+$0xA00] =	vst v53  }
0xa0: {  	v0 =	vadd.s32 $0x480, v0;
	s11 =	sor.u32 $0x380, s11;
	[tilespmem:s9+$0xA00] =	vst v7;
	v58 =	vld.idx.msk [tilespmem:v54+s7+$0x0], $0xffff  }
0xa1: {  	v59 =	vadd.s32 $0x480, v2;
	[tilespmem:s11+$0xA00] =	vst v8;
	v5 =	vld.idx.msk [tilespmem:v5+s7+$0x0], $0xffff  }
0xa2: {  	v6 =	vld.idx.msk [tilespmem:v6+s7+$0x0], $0xffff;
	[tilespmem:s10+$0xA00] =	vst v55  }
0xa3: {  	[tilespmem:s12+$0x0] =	vst v56;
	s19 =	sadd.s32 $0x1A00, s16;
	v60 =	vld.idx.msk [tilespmem:v57+s7+$0x0], $0xffff  }
0xa4: {  	v61 =	vadd.s32 $0x480, v1;
	v3 =	vld.idx.msk [tilespmem:v3+s7+$0x0], $0xffff;
	[tilespmem:s1+$0x0] =	vst v4;
	s20 =	sor.u32 s15, s19  }
0xa5: {  	v0 =	vld.idx.msk [tilespmem:v0+s7+$0x0], $0xffff;
	s21 =	sor.u32 s17, s19;
	[tilespmem:s20+$0x0] =	vst v58  }
0xa6: {  	s22 =	sor.u32 s18, s19;
	[tilespmem:s21+$0x0] =	vst v5;
	v2 =	vld.idx.msk [tilespmem:v59+s7+$0x0], $0xffff  }
0xa7: {  	s0 =	sor.u32 s14, s19;
	[tilespmem:s22+$0x0] =	vst v6;
	v62 =	vld.idx.msk [tilespmem:v14+s7+$0x0], $0xffff  }
0xa8: {  	v63 =	vld.idx.msk [tilespmem:v13+s7+$0x0], $0xffff;
	[tilespmem:s0+$0x0] =	vst v60  }
0xa9: {  	[tilespmem:s30+$0x0] =	vst v3;
	s23 =	sadd.s32 $0x1A80, s16;
	v1 =	vld.idx.msk [tilespmem:v61+s7+$0x0], $0xffff  }
0xaa: {  	[tilespmem:s24+$0x0] =	vst v0;
	s24 =	sor.u32 s15, s23  }
0xab: {  	s25 =	sor.u32 s17, s23;
	[tilespmem:s24+$0x0] =	vst v2  }
0xac: {  	s26 =	sor.u32 s18, s23;
	[tilespmem:s25+$0x0] =	vst v62  }
0xad: {  	s0 =	sor.u32 s14, s23;
	[tilespmem:s26+$0x0] =	vst v63  }
0xae: {  	s1 =	simm.s32 $0x2;
	s30 =	simm.s32 $0xA00;
	[tilespmem:s0+$0x0] =	vst v1  }
0xaf: {  	s28 =	simm.s32 $0x1000;
	s29 =	simm.s32 $0x20000;
	s0 =	rddreg [dreg:$0x5]  }
0xb0: {  	[hbm4b:s0+s28] =	stream.strided.scatter [tilespmem:s30], [sflag:$0x2], $0x2000, s29, s28, $0x38;
	[tilespmem:$0x2A00] =	vst v63  }
0xb1: {  	_ =	swait.ge [sflag:s1], $0x2000  }
0xb2: {  	s13 =	sadd.s32 $0x1, s13;
	s31 =	rddreg [dreg:$0x6]  }
0xb3: {  	p0 =	sne.s32 s13, s31  }
.Ltmp1:
0xb4: {  	_ = 	snop;
	(pc) =	sbr.rel @p0 .LBB2_1-.Ltmp1, $3  }
0xb5: {  	_ =	sdelay $0x1  }
0xb6: {  	[sflag:s1] =	ssyncset.done $0x0  }
0xb7: {  	[sflag:s1] =	ssyncadd.s32 $0xFFFFE000  }
0xb8: {  	_ =	sfence.sel $0x180000  }
0xb9: {  	[bflag:$0x0] =	sbarrier.arrive $0xFFFF  }
0xba: {  	_ =	strace $0x90000047  }
0xbb: {  	s0 =	stileid.u32;
	[bflag:$0x2] =	sbarrier.arrive $0xFFFF  }
0xbc: {  	p0 =	sne.s32 s0, $0x0;
	s0 =	rddreg [dreg:$0x3]  }
0xbd: {  	s0 =	sadd.s32 @!p0 $0x100000, s0  }
0xbe: {  	[sflag:s0] =	ssyncadd.tile.s32 @!p0 $0x1;
	_ =	shalt  }
.Lfunc_end2:
_tile_overlayer_lowered:
.L_overlay_start_2:
0xbf: {  	(tag) =	ssettag $0x2  }
0xc0: {  	s0 =	rddreg [dreg:$0x0];
	s2 =	stileid.u32  }
0xc1: {  	s1 =	rddreg [dreg:$0x1];
	p0 =	sne.s32 s2, $0x0  }
0xc2: {  	s3 =	rddreg [dreg:$0x2];
	[bflag:$0x3] =	sbarrier.arrive $0xFFFF;
	s2 =	simm.s32 @!p0 $0x1C02  }
0xc3: {  	[timem:s3], [sflag:s2] =	dma.local @!p0 [hbm:s0], s1  }
0xc4: {  	s0 =	simm.s32 @!p0 $0x2  }
0xc5: {  	_ =	swait.ge @!p0 [sflag:s0], s1  }
0xc6: {  	s1 =	ssub.s32 @!p0 $0x0, s1;
	[sflag:s0] =	ssyncset.done @!p0 $0x0  }
0xc7: {  	[sflag:s0] =	ssyncadd.s32 @!p0 s1  }
0xc8: {  	[bflag:$0x3] =	sbarrier.arrive $0xFFFF  }
0xc9: {  	_ =	shalt  }

</sc_bundles>
